<compile_context>
chip_gen: v7x
topology: tpu7x:2x2x1
jax: 0.10.2.dev20260603
libtpu: 0.0.44.dev20260713+nightly
codegen_flags: <defaults>
</compile_context>

<pallas_src>
import functools

import jax
import jax.numpy as jnp
from jax import lax
from jax.experimental import pallas as pl
from jax.experimental.pallas import tpu as pltpu
from jax.experimental.pallas import tpu_sc as plsc

N_ELEMS = 1_600_000
NUM_PIDS = 50_000
PID_PAD = 50_048
NUM_WORKERS = 32
CHUNK = N_ELEMS // NUM_WORKERS
SUB = 2_000
SUBS = CHUNK // SUB
STEPS = SUB // 16

_mesh = plsc.VectorSubcoreMesh(core_axis_name="c", subcore_axis_name="s")


@functools.partial(
    pl.kernel,
    mesh=_mesh,
    compiler_params=pltpu.CompilerParams(needs_layout_passes=False),
    out_type=[
        jax.ShapeDtypeStruct((NUM_WORKERS, PID_PAD), jnp.float32),
        jax.ShapeDtypeStruct((NUM_WORKERS, PID_PAD), jnp.float32),
    ],
    scratch_types=[
        pltpu.VMEM((PID_PAD,), jnp.float32),
        pltpu.VMEM((PID_PAD,), jnp.float32),
        pltpu.VMEM((SUB + 16,), jnp.int32),
        pltpu.VMEM((SUB,), jnp.float32),
        pltpu.VMEM((SUB,), jnp.float32),
    ],
)
def _sc_segment(logits_hbm, labels_hbm, pidp_hbm, out_e, out_y,
                table_e, table_y, pid_buf, x_buf, y_buf):
    wid = lax.axis_index("s") * 2 + lax.axis_index("c")
    zeros16 = jnp.zeros((16,), jnp.float32)

    def zbody(i, acc):
        for j in range(8):
            off = i * 128 + j * 16
            table_e[pl.ds(off, 16)] = zeros16
            table_y[pl.ds(off, 16)] = zeros16
        return acc

    lax.fori_loop(0, PID_PAD // 128, zbody, 0)

    chunk_base = wid * CHUNK
    lane = lax.iota(jnp.int32, 16)

    def sub_body(s, carry):
        base = pl.multiple_of(chunk_base + s * SUB, 8)
        pltpu.sync_copy(pidp_hbm.at[pl.ds(base, SUB + 16)], pid_buf)
        pltpu.sync_copy(logits_hbm.at[pl.ds(base, SUB)], x_buf)
        pltpu.sync_copy(labels_hbm.at[pl.ds(base, SUB)], y_buf)

        def step(i, c):
            o = i * 16
            pid = pid_buf[pl.ds(o + 8, 16)]
            pidp = pid_buf[pl.ds(o + 7, 16)]
            pidn = pid_buf[pl.ds(o + 9, 16)]
            x = x_buf[pl.ds(o, 16)]
            y = y_buf[pl.ds(o, 16)]
            e = jnp.exp(x)
            cs = plsc.cumsum(e) + c
            is_start = pid != pidp
            is_end = pid != pidn
            first = jnp.logical_and(
                jnp.logical_and(s == 0, i == 0), lane == 0)
            last = jnp.logical_and(
                jnp.logical_and(s == SUBS - 1, i == STEPS - 1), lane == 15)
            plsc.addupdate_scatter(
                table_e, [pid], cs, mask=jnp.logical_or(is_end, last))
            plsc.addupdate_scatter(
                table_e, [pid], e - cs, mask=jnp.logical_or(is_start, first))
            plsc.addupdate_scatter(table_y, [pid], y, mask=is_start)
            return c + jnp.sum(e)

        return lax.fori_loop(0, STEPS, step, carry)

    lax.fori_loop(0, SUBS, sub_body, jnp.float32(0.0))
    pltpu.sync_copy(table_e, out_e.at[wid])
    pltpu.sync_copy(table_y, out_y.at[wid])


def _tc_body(e_ref, y_ref, out_ref):
    se = jnp.sum(e_ref[...], axis=0, keepdims=True)
    yl = jnp.sum(y_ref[...], axis=0, keepdims=True)
    present = se > 0.0
    z = jnp.log(jnp.maximum(se, 1e-38))
    z = jnp.where(present, z, 0.0)
    yv = jnp.where(present, yl, 0.0)
    per = jnp.maximum(z, 0.0) - z * yv + jnp.log1p(jnp.exp(-jnp.abs(z)))
    num = jnp.sum(jnp.where(present, per, 0.0))
    den = jnp.sum(present.astype(jnp.float32))
    out_ref[...] = jnp.reshape(num / den, (1, 1))


_tc_loss = pl.pallas_call(
    _tc_body,
    out_shape=jax.ShapeDtypeStruct((1, 1), jnp.float32),
)


def kernel(logits, labels, patient_ids):
    pid_halo = jnp.concatenate([
        jnp.full((8,), -1, jnp.int32),
        patient_ids.astype(jnp.int32),
        jnp.full((8,), -2, jnp.int32),
    ])
    part_e, part_y = _sc_segment(logits, labels, pid_halo)
    loss = _tc_loss(part_e, part_y)
    return loss[0, 0]

# --- scband reference (transcript-rebuilt; emitter-appended) ---
"""Pipeline reference for scband-patient-aware-loss-15951508537905 (READ-ONLY COPY).

The authoritative reference and input builder live on the scoring server;
editing this copy changes nothing except your own understanding.
"""

import jax, jax.numpy as jnp
import numpy as np

N = 1600000
NUM_PATIENTS = 50000

def setup_inputs(seed: int = 0) -> dict:
    key = jax.random.key(seed)
    k1, k2, k3 = jax.random.split(key, 3)
    logits = jax.random.normal(k1, (N,), dtype=jnp.float32)
    labels = jax.random.randint(k2, (N,), 0, 2).astype(jnp.float32)
    patient_ids = jnp.sort(jax.random.randint(k3, (N,), 0, NUM_PATIENTS))
    return {"logits": logits, "labels": labels, "patient_ids": patient_ids}

def reference(logits, labels, patient_ids):
    # Faithful translation of PatientAwareLoss(agg='logsumexp'):
    # per-patient (segment) logsumexp of clip logits, first label per patient,
    # BCEWithLogits mean over the set of patients actually present.
    n = logits.shape[0]
    num_seg = NUM_PATIENTS
    counts = jax.ops.segment_sum(jnp.ones_like(logits), patient_ids, num_segments=num_seg)
    present = counts > 0  # torch.unique only iterates present pids
    # stable segment logsumexp: z = max + log(sum(exp(x - max)))
    seg_max = jax.ops.segment_max(logits, patient_ids, num_segments=num_seg)
    seg_max_safe = jnp.where(present, seg_max, 0.0)
    exp_sum = jax.ops.segment_sum(jnp.exp(logits - seg_max_safe[patient_ids]), patient_ids, num_segments=num_seg)
    z = seg_max_safe + jnp.log(jnp.maximum(exp_sum, 1e-38))
    # bag label = labels[mask][0]: first occurrence per (sorted) segment
    first_idx = jax.ops.segment_min(jnp.arange(n), patient_ids, num_segments=num_seg)
    first_idx = jnp.clip(first_idx, 0, n - 1)
    y = labels[first_idx]
    z_safe = jnp.where(present, z, 0.0)
    y_safe = jnp.where(present, y, 0.0)
    # BCEWithLogitsLoss (stable): max(z,0) - z*y + log(1 + exp(-|z|)), mean over present patients
    per = jnp.maximum(z_safe, 0.0) - z_safe * y_safe + jnp.log1p(jnp.exp(-jnp.abs(z_safe)))
    loss = jnp.sum(jnp.where(present, per, 0.0)) / jnp.sum(present).astype(jnp.float32)
    return loss

if __name__ == "__main__":
    import jax
    _d = setup_inputs()
    print(jax.jit(kernel)(*tuple(_d.values())))

</pallas_src>

<mosaic_0001>
#map = affine_map<(d0, d1) -> (0)>
#map1 = affine_map<(d0, d1) -> (0, 0)>
module attributes {stable_mosaic.version = 14 : i64} {
  func.func @_sc_segment(%arg0: i32, %arg1: i32, %arg2: memref<1600000xf32, #tpu.memory_space<hbm>>, %arg3: memref<1600000xf32, #tpu.memory_space<hbm>>, %arg4: memref<1600016xi32, #tpu.memory_space<hbm>>, %arg5: memref<32x50048xf32, #tpu.memory_space<hbm>>, %arg6: memref<32x50048xf32, #tpu.memory_space<hbm>>, %arg7: memref<50048xf32, #tpu.memory_space<vmem>>, %arg8: memref<50048xf32, #tpu.memory_space<vmem>>, %arg9: memref<2016xi32, #tpu.memory_space<vmem>>, %arg10: memref<2000xf32, #tpu.memory_space<vmem>>, %arg11: memref<2000xf32, #tpu.memory_space<vmem>>) attributes {dimension_semantics = [#tpu.dimension_semantics<core_parallel>, #tpu.dimension_semantics<subcore_parallel>], iteration_bounds = array<i64: 2, 16>, scalar_prefetch = 0 : i64, scratch_operands = 5 : i64, tpu.core_type = #tpu.core_type<sc_vector_subcore>, window_params = [{transform_indices = #map}, {transform_indices = #map}, {transform_indices = #map}, {transform_indices = #map1}, {transform_indices = #map1}]} {
    %mul3A = arith.constant 2 : i32
    %mul3A_0 = arith.muli %arg1, %mul3A : i32
    %add3A = arith.addi %mul3A_0, %arg0 : i32
    %broadcast_in_dim3A = arith.constant 0.000000e+00 : f32
    %broadcast_in_dim3A_1 = vector.broadcast %broadcast_in_dim3A : f32 to vector<16xf32>
    %scan3A = arith.constant 0 : i32
    %scan3A_2 = arith.constant 0 : i32
    %scan3A_3 = arith.constant 391 : i32
    %scan3A_4 = arith.addi %scan3A_2, %scan3A_3 : i32
    %scan3A_5 = arith.constant 1 : i32
    scf.for %scan3A_16 = %scan3A_2 to %scan3A_4 step %scan3A_5  : i32 {
      %mul3A_17 = arith.constant 128 : i32
      %mul3A_18 = arith.muli %scan3A_16, %mul3A_17 : i32
      %add3A_19 = arith.constant 0 : i32
      %add3A_20 = arith.addi %mul3A_18, %add3A_19 : i32
      %swap3A = arith.index_cast %add3A_20 : i32 to index
      %swap3A_21 = tpu.vector_load %arg7[%swap3A] {strides = array<i32>} : memref<50048xf32, #tpu.memory_space<vmem>>, vector<16xf32>,
      tpu.vector_store %arg7[%swap3A], %broadcast_in_dim3A_1 {strides = array<i32>} : memref<50048xf32, #tpu.memory_space<vmem>>, vector<16xf32>,
      %swap3A_22 = arith.index_cast %add3A_20 : i32 to index
      %swap3A_23 = tpu.vector_load %arg8[%swap3A_22] {strides = array<i32>} : memref<50048xf32, #tpu.memory_space<vmem>>, vector<16xf32>,
      tpu.vector_store %arg8[%swap3A_22], %broadcast_in_dim3A_1 {strides = array<i32>} : memref<50048xf32, #tpu.memory_space<vmem>>, vector<16xf32>,
      %mul3A_24 = arith.constant 128 : i32
      %mul3A_25 = arith.muli %scan3A_16, %mul3A_24 : i32
      %add3A_26 = arith.constant 16 : i32
      %add3A_27 = arith.addi %mul3A_25, %add3A_26 : i32
      %swap3A_28 = arith.index_cast %add3A_27 : i32 to index
      %swap3A_29 = tpu.vector_load %arg7[%swap3A_28] {strides = array<i32>} : memref<50048xf32, #tpu.memory_space<vmem>>, vector<16xf32>,
      tpu.vector_store %arg7[%swap3A_28], %broadcast_in_dim3A_1 {strides = array<i32>} : memref<50048xf32, #tpu.memory_space<vmem>>, vector<16xf32>,
      %swap3A_30 = arith.index_cast %add3A_27 : i32 to index
      %swap3A_31 = tpu.vector_load %arg8[%swap3A_30] {strides = array<i32>} : memref<50048xf32, #tpu.memory_space<vmem>>, vector<16xf32>,
      tpu.vector_store %arg8[%swap3A_30], %broadcast_in_dim3A_1 {strides = array<i32>} : memref<50048xf32, #tpu.memory_space<vmem>>, vector<16xf32>,
      %mul3A_32 = arith.constant 128 : i32
      %mul3A_33 = arith.muli %scan3A_16, %mul3A_32 : i32
      %add3A_34 = arith.constant 32 : i32
      %add3A_35 = arith.addi %mul3A_33, %add3A_34 : i32
      %swap3A_36 = arith.index_cast %add3A_35 : i32 to index
      %swap3A_37 = tpu.vector_load %arg7[%swap3A_36] {strides = array<i32>} : memref<50048xf32, #tpu.memory_space<vmem>>, vector<16xf32>,
      tpu.vector_store %arg7[%swap3A_36], %broadcast_in_dim3A_1 {strides = array<i32>} : memref<50048xf32, #tpu.memory_space<vmem>>, vector<16xf32>,
      %swap3A_38 = arith.index_cast %add3A_35 : i32 to index
      %swap3A_39 = tpu.vector_load %arg8[%swap3A_38] {strides = array<i32>} : memref<50048xf32, #tpu.memory_space<vmem>>, vector<16xf32>,
      tpu.vector_store %arg8[%swap3A_38], %broadcast_in_dim3A_1 {strides = array<i32>} : memref<50048xf32, #tpu.memory_space<vmem>>, vector<16xf32>,
      %mul3A_40 = arith.constant 128 : i32
      %mul3A_41 = arith.muli %scan3A_16, %mul3A_40 : i32
      %add3A_42 = arith.constant 48 : i32
      %add3A_43 = arith.addi %mul3A_41, %add3A_42 : i32
      %swap3A_44 = arith.index_cast %add3A_43 : i32 to index
      %swap3A_45 = tpu.vector_load %arg7[%swap3A_44] {strides = array<i32>} : memref<50048xf32, #tpu.memory_space<vmem>>, vector<16xf32>,
      tpu.vector_store %arg7[%swap3A_44], %broadcast_in_dim3A_1 {strides = array<i32>} : memref<50048xf32, #tpu.memory_space<vmem>>, vector<16xf32>,
      %swap3A_46 = arith.index_cast %add3A_43 : i32 to index
      %swap3A_47 = tpu.vector_load %arg8[%swap3A_46] {strides = array<i32>} : memref<50048xf32, #tpu.memory_space<vmem>>, vector<16xf32>,
      tpu.vector_store %arg8[%swap3A_46], %broadcast_in_dim3A_1 {strides = array<i32>} : memref<50048xf32, #tpu.memory_space<vmem>>, vector<16xf32>,
      %mul3A_48 = arith.constant 128 : i32
      %mul3A_49 = arith.muli %scan3A_16, %mul3A_48 : i32
      %add3A_50 = arith.constant 64 : i32
      %add3A_51 = arith.addi %mul3A_49, %add3A_50 : i32
      %swap3A_52 = arith.index_cast %add3A_51 : i32 to index
      %swap3A_53 = tpu.vector_load %arg7[%swap3A_52] {strides = array<i32>} : memref<50048xf32, #tpu.memory_space<vmem>>, vector<16xf32>,
      tpu.vector_store %arg7[%swap3A_52], %broadcast_in_dim3A_1 {strides = array<i32>} : memref<50048xf32, #tpu.memory_space<vmem>>, vector<16xf32>,
      %swap3A_54 = arith.index_cast %add3A_51 : i32 to index
      %swap3A_55 = tpu.vector_load %arg8[%swap3A_54] {strides = array<i32>} : memref<50048xf32, #tpu.memory_space<vmem>>, vector<16xf32>,
      tpu.vector_store %arg8[%swap3A_54], %broadcast_in_dim3A_1 {strides = array<i32>} : memref<50048xf32, #tpu.memory_space<vmem>>, vector<16xf32>,
      %mul3A_56 = arith.constant 128 : i32
      %mul3A_57 = arith.muli %scan3A_16, %mul3A_56 : i32
      %add3A_58 = arith.constant 80 : i32
      %add3A_59 = arith.addi %mul3A_57, %add3A_58 : i32
      %swap3A_60 = arith.index_cast %add3A_59 : i32 to index
      %swap3A_61 = tpu.vector_load %arg7[%swap3A_60] {strides = array<i32>} : memref<50048xf32, #tpu.memory_space<vmem>>, vector<16xf32>,
      tpu.vector_store %arg7[%swap3A_60], %broadcast_in_dim3A_1 {strides = array<i32>} : memref<50048xf32, #tpu.memory_space<vmem>>, vector<16xf32>,
      %swap3A_62 = arith.index_cast %add3A_59 : i32 to index
      %swap3A_63 = tpu.vector_load %arg8[%swap3A_62] {strides = array<i32>} : memref<50048xf32, #tpu.memory_space<vmem>>, vector<16xf32>,
      tpu.vector_store %arg8[%swap3A_62], %broadcast_in_dim3A_1 {strides = array<i32>} : memref<50048xf32, #tpu.memory_space<vmem>>, vector<16xf32>,
      %mul3A_64 = arith.constant 128 : i32
      %mul3A_65 = arith.muli %scan3A_16, %mul3A_64 : i32
      %add3A_66 = arith.constant 96 : i32
      %add3A_67 = arith.addi %mul3A_65, %add3A_66 : i32
      %swap3A_68 = arith.index_cast %add3A_67 : i32 to index
      %swap3A_69 = tpu.vector_load %arg7[%swap3A_68] {strides = array<i32>} : memref<50048xf32, #tpu.memory_space<vmem>>, vector<16xf32>,
      tpu.vector_store %arg7[%swap3A_68], %broadcast_in_dim3A_1 {strides = array<i32>} : memref<50048xf32, #tpu.memory_space<vmem>>, vector<16xf32>,
      %swap3A_70 = arith.index_cast %add3A_67 : i32 to index
      %swap3A_71 = tpu.vector_load %arg8[%swap3A_70] {strides = array<i32>} : memref<50048xf32, #tpu.memory_space<vmem>>, vector<16xf32>,
      tpu.vector_store %arg8[%swap3A_70], %broadcast_in_dim3A_1 {strides = array<i32>} : memref<50048xf32, #tpu.memory_space<vmem>>, vector<16xf32>,
      %mul3A_72 = arith.constant 128 : i32
      %mul3A_73 = arith.muli %scan3A_16, %mul3A_72 : i32
      %add3A_74 = arith.constant 112 : i32
      %add3A_75 = arith.addi %mul3A_73, %add3A_74 : i32
      %swap3A_76 = arith.index_cast %add3A_75 : i32 to index
      %swap3A_77 = tpu.vector_load %arg7[%swap3A_76] {strides = array<i32>} : memref<50048xf32, #tpu.memory_space<vmem>>, vector<16xf32>,
      tpu.vector_store %arg7[%swap3A_76], %broadcast_in_dim3A_1 {strides = array<i32>} : memref<50048xf32, #tpu.memory_space<vmem>>, vector<16xf32>,
      %swap3A_78 = arith.index_cast %add3A_75 : i32 to index
      %swap3A_79 = tpu.vector_load %arg8[%swap3A_78] {strides = array<i32>} : memref<50048xf32, #tpu.memory_space<vmem>>, vector<16xf32>,
      tpu.vector_store %arg8[%swap3A_78], %broadcast_in_dim3A_1 {strides = array<i32>} : memref<50048xf32, #tpu.memory_space<vmem>>, vector<16xf32>,
    }
    %scan3A_6 = arith.constant 391 : i32
    %mul3A_7 = arith.constant 50000 : i32
    %mul3A_8 = arith.muli %add3A, %mul3A_7 : i32
    %iota3A = tpu.iota {dimensions = array<i32: 0>} : vector<16xi32>
    %scan3A_9 = arith.constant 0.000000e+00 : f32
    %scan3A_10 = arith.constant 0 : i32
    %scan3A_11 = arith.constant 25 : i32
    %scan3A_12 = arith.addi %scan3A_10, %scan3A_11 : i32
    %scan3A_13 = arith.constant 1 : i32
    %scan3A_14 = scf.for %scan3A_16 = %scan3A_10 to %scan3A_12 step %scan3A_13 iter_args(%scan3A_17 = %scan3A_9) -> (f32)  : i32 {
      %mul3A_18 = arith.constant 2000 : i32
      %mul3A_19 = arith.muli %scan3A_16, %mul3A_18 : i32
      %add3A_20 = arith.addi %mul3A_8, %mul3A_19 : i32
      %multiple_of3A = tpu.assume_multiple %add3A_20, 8 : i32
      "tpu.region"() ({
        %run_scoped3A = tpu.sem_alloc : memref<!tpu.dma_semaphore, #tpu.memory_space<semaphore_mem>>
        %dma_start3A = tpu.memref_slice %arg4[%multiple_of3A] : memref<1600016xi32, #tpu.memory_space<hbm>> -> memref<2016xi32, #tpu.memory_space<hbm>>
        %dma_start3A_27 = tpu.memref_slice %arg4[%multiple_of3A] : memref<1600016xi32, #tpu.memory_space<hbm>> -> memref<2016xi32, #tpu.memory_space<hbm>>
        tpu.enqueue_dma source(%dma_start3A_27 : memref<2016xi32, #tpu.memory_space<hbm>>) target(%arg9 : memref<2016xi32, #tpu.memory_space<vmem>>) target_semaphore(%run_scoped3A : memref<!tpu.dma_semaphore, #tpu.memory_space<semaphore_mem>>)
        %dma_wait3A = tpu.memref_slice %arg4[%multiple_of3A] : memref<1600016xi32, #tpu.memory_space<hbm>> -> memref<2016xi32, #tpu.memory_space<hbm>>
        %dma_wait3A_28 = tpu.memref_slice %arg4[%multiple_of3A] : memref<1600016xi32, #tpu.memory_space<hbm>> -> memref<2016xi32, #tpu.memory_space<hbm>>
        tpu.wait_dma2 semaphore(%run_scoped3A : memref<!tpu.dma_semaphore, #tpu.memory_space<semaphore_mem>>) src(%dma_wait3A_28 : memref<2016xi32, #tpu.memory_space<hbm>>) dst(%arg9 : memref<2016xi32, #tpu.memory_space<vmem>>)
        tpu.yield
      }) : () -> ()
      "tpu.region"() ({
        %run_scoped3A = tpu.sem_alloc : memref<!tpu.dma_semaphore, #tpu.memory_space<semaphore_mem>>
        %dma_start3A = tpu.memref_slice %arg2[%multiple_of3A] : memref<1600000xf32, #tpu.memory_space<hbm>> -> memref<2000xf32, #tpu.memory_space<hbm>>
        %dma_start3A_27 = tpu.memref_slice %arg2[%multiple_of3A] : memref<1600000xf32, #tpu.memory_space<hbm>> -> memref<2000xf32, #tpu.memory_space<hbm>>
        tpu.enqueue_dma source(%dma_start3A_27 : memref<2000xf32, #tpu.memory_space<hbm>>) target(%arg10 : memref<2000xf32, #tpu.memory_space<vmem>>) target_semaphore(%run_scoped3A : memref<!tpu.dma_semaphore, #tpu.memory_space<semaphore_mem>>)
        %dma_wait3A = tpu.memref_slice %arg2[%multiple_of3A] : memref<1600000xf32, #tpu.memory_space<hbm>> -> memref<2000xf32, #tpu.memory_space<hbm>>
        %dma_wait3A_28 = tpu.memref_slice %arg2[%multiple_of3A] : memref<1600000xf32, #tpu.memory_space<hbm>> -> memref<2000xf32, #tpu.memory_space<hbm>>
        tpu.wait_dma2 semaphore(%run_scoped3A : memref<!tpu.dma_semaphore, #tpu.memory_space<semaphore_mem>>) src(%dma_wait3A_28 : memref<2000xf32, #tpu.memory_space<hbm>>) dst(%arg10 : memref<2000xf32, #tpu.memory_space<vmem>>)
        tpu.yield
      }) : () -> ()
      "tpu.region"() ({
        %run_scoped3A = tpu.sem_alloc : memref<!tpu.dma_semaphore, #tpu.memory_space<semaphore_mem>>
        %dma_start3A = tpu.memref_slice %arg3[%multiple_of3A] : memref<1600000xf32, #tpu.memory_space<hbm>> -> memref<2000xf32, #tpu.memory_space<hbm>>
        %dma_start3A_27 = tpu.memref_slice %arg3[%multiple_of3A] : memref<1600000xf32, #tpu.memory_space<hbm>> -> memref<2000xf32, #tpu.memory_space<hbm>>
        tpu.enqueue_dma source(%dma_start3A_27 : memref<2000xf32, #tpu.memory_space<hbm>>) target(%arg11 : memref<2000xf32, #tpu.memory_space<vmem>>) target_semaphore(%run_scoped3A : memref<!tpu.dma_semaphore, #tpu.memory_space<semaphore_mem>>)
        %dma_wait3A = tpu.memref_slice %arg3[%multiple_of3A] : memref<1600000xf32, #tpu.memory_space<hbm>> -> memref<2000xf32, #tpu.memory_space<hbm>>
        %dma_wait3A_28 = tpu.memref_slice %arg3[%multiple_of3A] : memref<1600000xf32, #tpu.memory_space<hbm>> -> memref<2000xf32, #tpu.memory_space<hbm>>
        tpu.wait_dma2 semaphore(%run_scoped3A : memref<!tpu.dma_semaphore, #tpu.memory_space<semaphore_mem>>) src(%dma_wait3A_28 : memref<2000xf32, #tpu.memory_space<hbm>>) dst(%arg11 : memref<2000xf32, #tpu.memory_space<vmem>>)
        tpu.yield
      }) : () -> ()
      %scan3A_21 = arith.constant 0 : i32
      %scan3A_22 = arith.constant 125 : i32
      %scan3A_23 = arith.addi %scan3A_21, %scan3A_22 : i32
      %scan3A_24 = arith.constant 1 : i32
      %scan3A_25 = scf.for %scan3A_27 = %scan3A_21 to %scan3A_23 step %scan3A_24 iter_args(%scan3A_28 = %scan3A_17) -> (f32)  : i32 {
        %mul3A_29 = arith.constant 16 : i32
        %mul3A_30 = arith.muli %scan3A_27, %mul3A_29 : i32
        %add3A_31 = arith.constant 8 : i32
        %add3A_32 = arith.addi %mul3A_30, %add3A_31 : i32
        %get3A = arith.index_cast %add3A_32 : i32 to index
        %get3A_33 = tpu.vector_load %arg9[%get3A] {strides = array<i32>} : memref<2016xi32, #tpu.memory_space<vmem>>, vector<16xi32>,
        %add3A_34 = arith.constant 7 : i32
        %add3A_35 = arith.addi %mul3A_30, %add3A_34 : i32
        %get3A_36 = arith.index_cast %add3A_35 : i32 to index
        %get3A_37 = tpu.vector_load %arg9[%get3A_36] {strides = array<i32>} : memref<2016xi32, #tpu.memory_space<vmem>>, vector<16xi32>,
        %add3A_38 = arith.constant 9 : i32
        %add3A_39 = arith.addi %mul3A_30, %add3A_38 : i32
        %get3A_40 = arith.index_cast %add3A_39 : i32 to index
        %get3A_41 = tpu.vector_load %arg9[%get3A_40] {strides = array<i32>} : memref<2016xi32, #tpu.memory_space<vmem>>, vector<16xi32>,
        %get3A_42 = arith.index_cast %mul3A_30 : i32 to index
        %get3A_43 = tpu.vector_load %arg10[%get3A_42] {strides = array<i32>} : memref<2000xf32, #tpu.memory_space<vmem>>, vector<16xf32>,
        %get3A_44 = arith.index_cast %mul3A_30 : i32 to index
        %get3A_45 = tpu.vector_load %arg11[%get3A_44] {strides = array<i32>} : memref<2000xf32, #tpu.memory_space<vmem>>, vector<16xf32>,
        %exp3A = math.exp %get3A_43 : vector<16xf32>
        %broadcast_in_dim3A_46 = arith.constant true
        %broadcast_in_dim3A_47 = vector.broadcast %broadcast_in_dim3A_46 : i1 to vector<16xi1>
        %masked_cumsum3A = tpu.scan <sum>, %exp3A masked %broadcast_in_dim3A_47 : vector<16xf32>, vector<16xi1> -> vector<16xf32>
        %add3A_48 = vector.broadcast %scan3A_28 : f32 to vector<16xf32>
        %add3A_49 = arith.addf %masked_cumsum3A, %add3A_48 : vector<16xf32>
        %ne3A = arith.cmpi ne, %get3A_33, %get3A_37 : vector<16xi32>
        %ne3A_50 = arith.cmpi ne, %get3A_33, %get3A_41 : vector<16xi32>
        %eq3A = arith.constant 0 : i32
        %eq3A_51 = arith.cmpi eq, %scan3A_16, %eq3A : i32
        %eq3A_52 = arith.constant 0 : i32
        %eq3A_53 = arith.cmpi eq, %scan3A_27, %eq3A_52 : i32
        %and3A = arith.andi %eq3A_51, %eq3A_53 : i1
        %eq3A_54 = arith.constant 0 : i32
        %eq3A_55 = vector.broadcast %eq3A_54 : i32 to vector<16xi32>
        %eq3A_56 = arith.cmpi eq, %iota3A, %eq3A_55 : vector<16xi32>
        %and3A_57 = vector.broadcast %and3A : i1 to vector<16xi1>
        %and3A_58 = arith.andi %and3A_57, %eq3A_56 : vector<16xi1>
        %eq3A_59 = arith.constant 24 : i32
        %eq3A_60 = arith.cmpi eq, %scan3A_16, %eq3A_59 : i32
        %eq3A_61 = arith.constant 124 : i32
        %eq3A_62 = arith.cmpi eq, %scan3A_27, %eq3A_61 : i32
        %and3A_63 = arith.andi %eq3A_60, %eq3A_62 : i1
        %eq3A_64 = arith.constant 15 : i32
        %eq3A_65 = vector.broadcast %eq3A_64 : i32 to vector<16xi32>
        %eq3A_66 = arith.cmpi eq, %iota3A, %eq3A_65 : vector<16xi32>
        %and3A_67 = vector.broadcast %and3A_63 : i1 to vector<16xi1>
        %and3A_68 = arith.andi %and3A_67, %eq3A_66 : vector<16xi1>
        %or3A = arith.ori %ne3A_50, %and3A_68 : vector<16xi1>
        tpu.vector_store_idx %arg7[%get3A_33], %add3A_49 masked %or3A {add = true} : memref<50048xf32, #tpu.memory_space<vmem>>[vector<16xi32>], vector<16xf32>, vector<16xi1>
        %sub3A = arith.subf %exp3A, %add3A_49 : vector<16xf32>
        %or3A_69 = arith.ori %ne3A, %and3A_58 : vector<16xi1>
        tpu.vector_store_idx %arg7[%get3A_33], %sub3A masked %or3A_69 {add = true} : memref<50048xf32, #tpu.memory_space<vmem>>[vector<16xi32>], vector<16xf32>, vector<16xi1>
        tpu.vector_store_idx %arg8[%get3A_33], %get3A_45 masked %ne3A {add = true} : memref<50048xf32, #tpu.memory_space<vmem>>[vector<16xi32>], vector<16xf32>, vector<16xi1>
        %reduce_sum3A = arith.constant true
        %reduce_sum3A_70 = vector.broadcast %reduce_sum3A : i1 to vector<16xi1>
        %reduce_sum3A_71 = tpu.scan <sum>, %exp3A masked %reduce_sum3A_70 : vector<16xf32>, vector<16xi1> -> vector<16xf32>
        %reduce_sum3A_72 = vector.extract %reduce_sum3A_71[15] : f32 from vector<16xf32>
        %add3A_73 = arith.addf %scan3A_28, %reduce_sum3A_72 : f32
        scf.yield %add3A_73 : f32
      }
      %scan3A_26 = arith.constant 125 : i32
      scf.yield %scan3A_25 : f32
    }
    %scan3A_15 = arith.constant 25 : i32
    "tpu.region"() ({
      %run_scoped3A = tpu.sem_alloc : memref<!tpu.dma_semaphore, #tpu.memory_space<semaphore_mem>>
      %dma_start3A = arith.constant 0 : i32
      %dma_start3A_16 = tpu.memref_slice %arg5[%add3A, %dma_start3A] : memref<32x50048xf32, #tpu.memory_space<hbm>> -> memref<1x50048xf32, #tpu.memory_space<hbm>>
      %dma_start3A_17 = tpu.memref_squeeze %dma_start3A_16 : memref<1x50048xf32, #tpu.memory_space<hbm>> -> memref<50048xf32, #tpu.memory_space<hbm>>
      %dma_start3A_18 = arith.constant 0 : i32
      %dma_start3A_19 = tpu.memref_slice %arg5[%add3A, %dma_start3A_18] : memref<32x50048xf32, #tpu.memory_space<hbm>> -> memref<1x50048xf32, #tpu.memory_space<hbm>>
      %dma_start3A_20 = tpu.memref_squeeze %dma_start3A_19 : memref<1x50048xf32, #tpu.memory_space<hbm>> -> memref<50048xf32, #tpu.memory_space<hbm>>
      tpu.enqueue_dma source(%arg7 : memref<50048xf32, #tpu.memory_space<vmem>>) target(%dma_start3A_20 : memref<50048xf32, #tpu.memory_space<hbm>>) target_semaphore(%run_scoped3A : memref<!tpu.dma_semaphore, #tpu.memory_space<semaphore_mem>>)
      %dma_wait3A = arith.constant 0 : i32
      %dma_wait3A_21 = tpu.memref_slice %arg5[%add3A, %dma_wait3A] : memref<32x50048xf32, #tpu.memory_space<hbm>> -> memref<1x50048xf32, #tpu.memory_space<hbm>>
      %dma_wait3A_22 = tpu.memref_squeeze %dma_wait3A_21 : memref<1x50048xf32, #tpu.memory_space<hbm>> -> memref<50048xf32, #tpu.memory_space<hbm>>
      %dma_wait3A_23 = arith.constant 0 : i32
      %dma_wait3A_24 = tpu.memref_slice %arg5[%add3A, %dma_wait3A_23] : memref<32x50048xf32, #tpu.memory_space<hbm>> -> memref<1x50048xf32, #tpu.memory_space<hbm>>
      %dma_wait3A_25 = tpu.memref_squeeze %dma_wait3A_24 : memref<1x50048xf32, #tpu.memory_space<hbm>> -> memref<50048xf32, #tpu.memory_space<hbm>>
      tpu.wait_dma2 semaphore(%run_scoped3A : memref<!tpu.dma_semaphore, #tpu.memory_space<semaphore_mem>>) src(%arg7 : memref<50048xf32, #tpu.memory_space<vmem>>) dst(%dma_wait3A_25 : memref<50048xf32, #tpu.memory_space<hbm>>)
      tpu.yield
    }) : () -> ()
    "tpu.region"() ({
      %run_scoped3A = tpu.sem_alloc : memref<!tpu.dma_semaphore, #tpu.memory_space<semaphore_mem>>
      %dma_start3A = arith.constant 0 : i32
      %dma_start3A_16 = tpu.memref_slice %arg6[%add3A, %dma_start3A] : memref<32x50048xf32, #tpu.memory_space<hbm>> -> memref<1x50048xf32, #tpu.memory_space<hbm>>
      %dma_start3A_17 = tpu.memref_squeeze %dma_start3A_16 : memref<1x50048xf32, #tpu.memory_space<hbm>> -> memref<50048xf32, #tpu.memory_space<hbm>>
      %dma_start3A_18 = arith.constant 0 : i32
      %dma_start3A_19 = tpu.memref_slice %arg6[%add3A, %dma_start3A_18] : memref<32x50048xf32, #tpu.memory_space<hbm>> -> memref<1x50048xf32, #tpu.memory_space<hbm>>
      %dma_start3A_20 = tpu.memref_squeeze %dma_start3A_19 : memref<1x50048xf32, #tpu.memory_space<hbm>> -> memref<50048xf32, #tpu.memory_space<hbm>>
      tpu.enqueue_dma source(%arg8 : memref<50048xf32, #tpu.memory_space<vmem>>) target(%dma_start3A_20 : memref<50048xf32, #tpu.memory_space<hbm>>) target_semaphore(%run_scoped3A : memref<!tpu.dma_semaphore, #tpu.memory_space<semaphore_mem>>)
      %dma_wait3A = arith.constant 0 : i32
      %dma_wait3A_21 = tpu.memref_slice %arg6[%add3A, %dma_wait3A] : memref<32x50048xf32, #tpu.memory_space<hbm>> -> memref<1x50048xf32, #tpu.memory_space<hbm>>
      %dma_wait3A_22 = tpu.memref_squeeze %dma_wait3A_21 : memref<1x50048xf32, #tpu.memory_space<hbm>> -> memref<50048xf32, #tpu.memory_space<hbm>>
      %dma_wait3A_23 = arith.constant 0 : i32
      %dma_wait3A_24 = tpu.memref_slice %arg6[%add3A, %dma_wait3A_23] : memref<32x50048xf32, #tpu.memory_space<hbm>> -> memref<1x50048xf32, #tpu.memory_space<hbm>>
      %dma_wait3A_25 = tpu.memref_squeeze %dma_wait3A_24 : memref<1x50048xf32, #tpu.memory_space<hbm>> -> memref<50048xf32, #tpu.memory_space<hbm>>
      tpu.wait_dma2 semaphore(%run_scoped3A : memref<!tpu.dma_semaphore, #tpu.memory_space<semaphore_mem>>) src(%arg8 : memref<50048xf32, #tpu.memory_space<vmem>>) dst(%dma_wait3A_25 : memref<50048xf32, #tpu.memory_space<hbm>>)
      tpu.yield
    }) : () -> ()
    return
  }
}

module attributes {stable_mosaic.version = 14 : i64} {
  func.func @_tc_body(%arg0: memref<32x50048xf32, #tpu.memory_space<vmem>>, %arg1: memref<32x50048xf32, #tpu.memory_space<vmem>>, %arg2: memref<1x1xf32, #tpu.memory_space<vmem>>) attributes {dimension_semantics = [], scalar_prefetch = 0 : i64, scratch_operands = 0 : i64, tpu.core_type = #tpu.core_type<tc>} {
    %get3A = arith.constant 0 : index
    %get3A_0 = arith.constant 0 : index
    %get3A_1 = vector.load %arg0[%get3A, %get3A_0] : memref<32x50048xf32, #tpu.memory_space<vmem>>, vector<32x50048xf32>
    %reduce_sum3A = arith.constant dense<0.000000e+00> : vector<50048xf32>
    %reduce_sum3A_2 = vector.multi_reduction <add>, %get3A_1, %reduce_sum3A [0] : vector<32x50048xf32> to vector<50048xf32>
    %broadcast_in_dim3A = vector.shape_cast %reduce_sum3A_2 : vector<50048xf32> to vector<1x50048xf32>
    %get3A_3 = arith.constant 0 : index
    %get3A_4 = arith.constant 0 : index
    %get3A_5 = vector.load %arg1[%get3A_3, %get3A_4] : memref<32x50048xf32, #tpu.memory_space<vmem>>, vector<32x50048xf32>
    %reduce_sum3A_6 = arith.constant dense<0.000000e+00> : vector<50048xf32>
    %reduce_sum3A_7 = vector.multi_reduction <add>, %get3A_5, %reduce_sum3A_6 [0] : vector<32x50048xf32> to vector<50048xf32>
    %broadcast_in_dim3A_8 = vector.shape_cast %reduce_sum3A_7 : vector<50048xf32> to vector<1x50048xf32>
    %gt3A = arith.constant 0.000000e+00 : f32
    %gt3A_9 = vector.broadcast %gt3A : f32 to vector<1x50048xf32>
    %gt3A_10 = arith.cmpf ogt, %broadcast_in_dim3A, %gt3A_9 : vector<1x50048xf32>
    %max3A = arith.constant 9.99999935E-39 : f32
    %max3A_11 = vector.broadcast %max3A : f32 to vector<1x50048xf32>
    %max3A_12 = arith.maximumf %broadcast_in_dim3A, %max3A_11 : vector<1x50048xf32>
    %log3A = math.log %max3A_12 : vector<1x50048xf32>
    %jit3A = arith.constant 0.000000e+00 : f32
    %broadcast_in_dim3A_13 = vector.broadcast %jit3A : f32 to vector<1x50048xf32>
    %select_n3A = arith.select %gt3A_10, %log3A, %broadcast_in_dim3A_13 : vector<1x50048xi1>, vector<1x50048xf32>
    %jit3A_14 = arith.constant 0.000000e+00 : f32
    %broadcast_in_dim3A_15 = vector.broadcast %jit3A_14 : f32 to vector<1x50048xf32>
    %select_n3A_16 = arith.select %gt3A_10, %broadcast_in_dim3A_8, %broadcast_in_dim3A_15 : vector<1x50048xi1>, vector<1x50048xf32>
    %max3A_17 = arith.constant 0.000000e+00 : f32
    %max3A_18 = vector.broadcast %max3A_17 : f32 to vector<1x50048xf32>
    %max3A_19 = arith.maximumf %select_n3A, %max3A_18 : vector<1x50048xf32>
    %mul3A = arith.mulf %select_n3A, %select_n3A_16 : vector<1x50048xf32>
    %sub3A = arith.subf %max3A_19, %mul3A : vector<1x50048xf32>
    %abs3A = math.absf %select_n3A : vector<1x50048xf32>
    %neg3A = arith.constant 0.000000e+00 : f32
    %neg3A_20 = vector.broadcast %neg3A : f32 to vector<1x50048xf32>
    %neg3A_21 = arith.subf %neg3A_20, %abs3A : vector<1x50048xf32>
    %exp3A = math.exp %neg3A_21 : vector<1x50048xf32>
    %log1p3A = math.log1p %exp3A : vector<1x50048xf32>
    %add3A = arith.addf %sub3A, %log1p3A : vector<1x50048xf32>
    %jit3A_22 = arith.constant 0.000000e+00 : f32
    %broadcast_in_dim3A_23 = vector.broadcast %jit3A_22 : f32 to vector<1x50048xf32>
    %select_n3A_24 = arith.select %gt3A_10, %add3A, %broadcast_in_dim3A_23 : vector<1x50048xi1>, vector<1x50048xf32>
    %reduce_sum3A_25 = vector.shape_cast %select_n3A_24 : vector<1x50048xf32> to vector<1x1x50048xf32>
    %reduce_sum3A_26 = arith.constant dense<0.000000e+00> : vector<1xf32>
    %reduce_sum3A_27 = vector.multi_reduction <add>, %reduce_sum3A_25, %reduce_sum3A_26 [1, 2] : vector<1x1x50048xf32> to vector<1xf32>
    %reduce_sum3A_28 = vector.shape_cast %reduce_sum3A_27 : vector<1xf32> to vector<1x1x1xf32>
    %reduce_sum3A_29 = vector.extract %reduce_sum3A_28[0, 0, 0] : f32 from vector<1x1x1xf32>
    %convert_element_type3A = arith.extui %gt3A_10 : vector<1x50048xi1> to vector<1x50048xi32>
    %convert_element_type3A_30 = arith.sitofp %convert_element_type3A : vector<1x50048xi32> to vector<1x50048xf32>
    %reduce_sum3A_31 = vector.shape_cast %convert_element_type3A_30 : vector<1x50048xf32> to vector<1x1x50048xf32>
    %reduce_sum3A_32 = arith.constant dense<0.000000e+00> : vector<1xf32>
    %reduce_sum3A_33 = vector.multi_reduction <add>, %reduce_sum3A_31, %reduce_sum3A_32 [1, 2] : vector<1x1x50048xf32> to vector<1xf32>
    %reduce_sum3A_34 = vector.shape_cast %reduce_sum3A_33 : vector<1xf32> to vector<1x1x1xf32>
    %reduce_sum3A_35 = vector.extract %reduce_sum3A_34[0, 0, 0] : f32 from vector<1x1x1xf32>
    %div3A = arith.divf %reduce_sum3A_29, %reduce_sum3A_35 : f32
    %reshape3A = vector.broadcast %div3A : f32 to vector<1x1xf32>
    %swap3A = arith.constant 0 : index
    %swap3A_36 = arith.constant 0 : index
    %swap3A_37 = vector.load %arg2[%swap3A, %swap3A_36] : memref<1x1xf32, #tpu.memory_space<vmem>>, vector<1x1xf32>
    tpu.vector_store %arg2[%swap3A, %swap3A_36], %reshape3A {strides = array<i32>} : memref<1x1xf32, #tpu.memory_space<vmem>>, vector<1x1xf32>,
    return
  }
}

</mosaic_0001>

<sc_bundles>
// kernel: kernel.4.cloned.1.call-start
scs
__scs_entry_jumppad:
0x0: {  	(pc) =	sbr.rel $0x88, $3  }
0x1: {  	(tag) =	ssettag $0x0;
	lr =	simm.s32 $0x1  }
0x2: {  	[smem:$0x3F9E] =	sst lr;
	_ =	strace $0xD0000000  }
0x3: {  	_ = 	snop  }
0x4: {  	_ = 	snop  }
0x5: {  	_ = 	snop  }
0x6: {  	_ = 	snop  }
0x7: {  	_ = 	snop  }
__scs_overlays_trampoline_lowered:
0x8: {  	[smem:$0x3FAD] =	sst s0  }
0x9: {  	[smem:$0x3FAE] =	sst s1  }
0xa: {  	[smem:$0x3FAF] =	sst s2  }
0xb: {  	[smem:$0x3FB0] =	sst s3  }
0xc: {  	[smem:$0x3FB1] =	sst s4  }
0xd: {  	[smem:$0x3FB2] =	sst s5  }
0xe: {  	[smem:$0x3FB3] =	sst s6  }
0xf: {  	[smem:$0x3FB4] =	sst s7  }
0x10: {  	[smem:$0x3FB5] =	sst s8  }
0x11: {  	[smem:$0x3FB6] =	sst s9;
	s0 =	simm.s32 @!p0 $0x0  }
0x12: {  	s1 =	sld [smem:$0x3F9C];
	s0 =	simm.s32 @p0 $0x1  }
0x13: {  	[smem:$0x3FB7] =	sst s0;
	s0 =	simm.s32 @!p1 $0x0  }
0x14: {  	s2 =	sld [smem:$0x3F9B];
	s0 =	simm.s32 @p1 $0x1  }
0x15: {  	[smem:$0x3FB8] =	sst s0;
	s0 =	simm.s32 @!p2 $0x0  }
0x16: {  	s3 =	sld [smem:$0x3FDB];
	s0 =	simm.s32 @p2 $0x1  }
0x17: {  	s4 =	simm.s32 $0x1BF5;
	[smem:$0x3FBA] =	sst s0  }
0x18: {  	s0 =	sld [smem:$0x3F9D];
	_ =	swait.ge [sflag:s4], $0x0  }
0x19: {  	s7 =	sld [smem:$0x3F9E]  }
0x1a: {  	s8 =	sadd.s32 $0xFFFFE003, lr  }
0x1b: {  	s9 =	sadd.s32 $0xFFFFFEF7, lr;
	s5 =	simm.s32 $0xFFFFFFFF;
	p2 =	slt.u32 s8, $0xFFFFF086  }
0x1c: {  	p1 =	slt.u32 s9, $0xF7A;
	s5 =	simm.s32 @!p2 $0x0  }
0x1d: {  	s5 =	simm.s32 @p1 $0x1;
	p0 =	seq.s32 s7, s2  }
0x1e: {  	s7 =	smul.u32 @!p0 $0xF7A, s2;
	p2 =	seq.s32 @!p0 s5, $0x0  }
0x1f: {  	s9 =	smul.u32 $0xF7A, s1;
	s8 =	simm.s32 @!p0 $0x1BF5;
	p2 =	por !p2, p0  }
0x20: {  	[sflag:s8] =	ssyncset.s32 @!p0 $0xFFFFF086;
	s6 =	sadd.s32 @!p0 s3, s7;
	s7 =	simm.s32 @!p0 $0x108  }
0x21: {  	s3 =	sadd.s32 s3, s9;
	s6 =	sadd.s32 @!p0 $0x88, s6;
	s7 =	simm.s32 @p2 $0x1082  }
0x22: {  	[simem:s7], [sflag:s8] =	dma.local @!p0 [hbm:s6], $0xF7A  }
0x23: {  	s9 =	sor.u32 $0xD0000000, s2;
	s6 =	simm.s32 $0x108;
	_ =	swait.ge @!p0 [sflag:s8], $0x0  }
0x24: {  	s3 =	sadd.s32 $0x88, s3;
	s6 =	simm.s32 @!p1 $0x1082;
	[sflag:s4] =	ssyncset.s32 $0xFFFFF086  }
0x25: {  	[simem:s6], [sflag:s4] =	dma.local [hbm:s3], $0xF7A  }
0x26: {  	[smem:$0x3F9E] =	sst s1;
	(tag) =	ssettag s2;
	_ =	strace s9  }
0x27: {  	s1 =	sld [smem:$0x3FAE]  }
0x28: {  	s2 =	sld [smem:$0x3FAF]  }
0x29: {  	s4 =	sld [smem:$0x3FB1]  }
0x2a: {  	p0 =	seq.s32 s5, $0x0;
	s5 =	sld [smem:$0x3FB2]  }
0x2b: {  	s6 =	sld [smem:$0x3FB3]  }
0x2c: {  	s7 =	sld [smem:$0x3FB4]  }
0x2d: {  	s3 =	simm.s32 $0x108;
	s8 =	sld [smem:$0x3FB5]  }
0x2e: {  	s3 =	simm.s32 @!p0 $0x1082;
	s9 =	sld [smem:$0x3FB6]  }
0x2f: {  	lr =	sadd.s32 s0, s3;
	s0 =	sld [smem:$0x3FAD]  }
0x30: {  	s3 =	sld [smem:$0x3FB0]  }
0x31: {  	[smem:$0x3FB9] =	sst s10  }
0x32: {  	s10 =	sld [smem:$0x3FB7];
	_ =	sdelay $0x3  }
0x33: {  	p0 =	seq.s32 s10, $0x1;
	s10 =	sld [smem:$0x3FB9];
	_ =	sdelay $0x3  }
0x34: {  	[smem:$0x3FB9] =	sst s10  }
0x35: {  	s10 =	sld [smem:$0x3FB8];
	_ =	sdelay $0x3  }
0x36: {  	p1 =	seq.s32 s10, $0x1;
	s10 =	sld [smem:$0x3FB9];
	_ =	sdelay $0x3  }
0x37: {  	[smem:$0x3FB9] =	sst s10  }
0x38: {  	s10 =	sld [smem:$0x3FBA]  }
0x39: {  	_ = 	snop;
	(pc) =	sbr.ind lr, $3  }
0x3a: {  	_ = 	snop  }
0x3b: {  	_ = 	snop  }
0x3c: {  	p2 =	seq.s32 s10, $0x1;
	s10 =	sld [smem:$0x3FB9]  }
0x3d: {  	_ =	shalt  }
0x3e: {  	_ =	shalt  }
0x3f: {  	_ =	shalt  }
0x40: {  	_ =	shalt  }
0x41: {  	_ =	shalt  }
0x42: {  	_ =	shalt  }
0x43: {  	_ =	shalt  }
0x44: {  	_ =	shalt  }
0x45: {  	_ =	shalt  }
0x46: {  	_ =	shalt  }
0x47: {  	_ =	shalt  }
0x48: {  	_ =	shalt  }
0x49: {  	_ =	shalt  }
0x4a: {  	_ =	shalt  }
0x4b: {  	_ =	shalt  }
0x4c: {  	_ =	shalt  }
0x4d: {  	_ =	shalt  }
0x4e: {  	_ =	shalt  }
0x4f: {  	_ =	shalt  }
0x50: {  	_ =	shalt  }
0x51: {  	_ =	shalt  }
0x52: {  	_ =	shalt  }
0x53: {  	_ =	shalt  }
0x54: {  	_ =	shalt  }
0x55: {  	_ =	shalt  }
0x56: {  	_ =	shalt  }
0x57: {  	_ =	shalt  }
0x58: {  	_ =	shalt  }
0x59: {  	_ =	shalt  }
0x5a: {  	_ =	shalt  }
0x5b: {  	_ =	shalt  }
0x5c: {  	_ =	shalt  }
0x5d: {  	_ =	shalt  }
0x5e: {  	_ =	shalt  }
0x5f: {  	_ =	shalt  }
0x60: {  	_ =	shalt  }
0x61: {  	_ =	shalt  }
0x62: {  	_ =	shalt  }
0x63: {  	_ =	shalt  }
0x64: {  	_ =	shalt  }
0x65: {  	_ =	shalt  }
0x66: {  	_ =	shalt  }
0x67: {  	_ =	shalt  }
0x68: {  	_ =	shalt  }
0x69: {  	_ =	shalt  }
0x6a: {  	_ =	shalt  }
0x6b: {  	_ =	shalt  }
0x6c: {  	_ =	shalt  }
0x6d: {  	_ =	shalt  }
0x6e: {  	_ =	shalt  }
0x6f: {  	_ =	shalt  }
0x70: {  	_ =	shalt  }
0x71: {  	_ =	shalt  }
0x72: {  	_ =	shalt  }
0x73: {  	_ =	shalt  }
0x74: {  	_ =	shalt  }
0x75: {  	_ =	shalt  }
0x76: {  	_ =	shalt  }
0x77: {  	_ =	shalt  }
0x78: {  	_ =	shalt  }
0x79: {  	_ =	shalt  }
0x7a: {  	_ =	shalt  }
0x7b: {  	_ =	shalt  }
0x7c: {  	_ =	shalt  }
0x7d: {  	_ =	shalt  }
0x7e: {  	_ =	shalt  }
0x7f: {  	_ =	shalt  }
0x80: {  	_ =	shalt  }
0x81: {  	_ =	shalt  }
0x82: {  	_ =	shalt  }
0x83: {  	_ =	shalt  }
0x84: {  	_ =	shalt  }
0x85: {  	_ =	shalt  }
0x86: {  	_ =	shalt  }
0x87: {  	_ =	shalt  }
.Lfunc_end0:
.L_simem_size_0:
called_computation_lowered:
.L_overlay_start_0:
0x88: {  	s2 =	sld [smem:$0x3FD9]  }
0x89: {  	s3 =	sld [smem:$0x3FFE];
	_ =	sdelay $0x1  }
0x8a: {  	s1 =	srdreg.scid  }
0x8b: {  	s0 =	sand.u32 $0x1, s1  }
0x8c: {  	s17 =	sshll.u32 s0, $0xA;
	s2 =	sadd.s32 s3, s2  }
0x8d: {  	s2 =	sadd.s32 s2, s17  }
0x8e: {  	[smem:$0x3FC5] =	sst s2  }
0x8f: {  	_ = 	snop  }
0x90: {  	s2 =	sld [smem:$0x3FC9]  }
0x91: {  	s18 =	sld [smem:$0x3FC8];
	(tm) =	ssettm $0x1  }
0x92: {  	s4 =	sld [smem:$0x3FFB];
	_ =	sdelay $0x3  }
0x93: {  	_ =	strace s4  }
0x94: {  	s4 =	sld [smem:$0x3FFC];
	_ =	sdelay $0x3  }
0x95: {  	_ =	strace s4  }
0x96: {  	s4 =	sld [smem:$0x3FFD];
	_ =	sdelay $0x3  }
0x97: {  	_ =	strace s4  }
0x98: {  	_ =	strace $0x8FFFFFFF  }
0x99: {  	s19 =	sld [smem:$0x3FDB];
	_ =	sdelay $0x1  }
0x9a: {  	s5 =	simm.s32 $_scs_section_size  }
0x9b: {  	s6 =	simm.s32 $_size__tile_overlayer_lowered;
	s7 =	simm.s32 $_tile_overlayer_lowered  }
0x9c: {  	s22 =	simm.s32 $0x1BFF;
	s21 =	sshll.u32 s7, $0x1;
	s4 =	sadd.s32 s5, s19  }
0x9d: {  	s8 =	simm.s32 $0x0;
	s20 =	sshll.u32 s6, $0x1;
	s6 =	sadd.s32 s21, s4  }
0x9e: {  	[timem:s8], [sflag:s22] =	dma.local [hbm:s6], s20  }
0x9f: {  	_ =	swait.ge [sflag:s22], s20  }
0xa0: {  	s5 =	ssub.s32 $0x0, s20;
	[sflag:s22] =	ssyncset.done $0x0  }
0xa1: {  	[sflag:s22] =	ssyncadd.s32 s5;
	_ =	sdelay $0x1  }
0xa2: {  	s23 =	simm.s32 $0x1B8B  }
0xa3: {  	_ =	swait.ge [sflag:s23], $0x1  }
0xa4: {  	[sflag:s23] =	ssyncset.done $0x0  }
0xa5: {  	s25 =	simm.s32 $0x1B8E;
	s24 =	sld [smem:$0x3FFE];
	[sflag:s23] =	ssyncadd.s32 $0xFFFFFFFF  }
0xa6: {  	s26 =	simm.s32 $execute0_lowered;
	[smem:$0x3FD2] =	sst s25  }
0xa7: {  	s6 =	sshll.u32 s26, $0x1;
	_ =	strace $0x80000046;
	[dreg:$0x1] =	wrdreg $0xFFFFFFFF  }
0xa8: {  	s28 =	simm.s32 $_size_execute0_lowered;
	s4 =	sadd.s32 s4, s6;
	[dreg:$0x0] =	wrdreg $0x0  }
0xa9: {  	s6 =	sshll.u32 s28, $0x1;
	[dreg:$0x2] =	wrdreg s4  }
0xaa: {  	[dreg:$0x3] =	wrdreg s6  }
0xab: {  	[dreg:$0x4] =	wrdreg $0xC0  }
0xac: {  	_ =	task [dreg:s8], $0x5FFFF  }
0xad: {  	[dreg:$0x1] =	wrdreg $0xFFFFFFFF  }
0xae: {  	[dreg:$0x0] =	wrdreg $0x60  }
0xaf: {  	[dreg:$0x2] =	wrdreg s2  }
0xb0: {  	[dreg:$0x3] =	wrdreg s18  }
0xb1: {  	[dreg:$0x4] =	wrdreg s24  }
0xb2: {  	[dreg:$0x5] =	wrdreg $0x9  }
0xb3: {  	_ =	task.clear_ibuf [dreg:s8], $0x6FFFF;
	_ =	strace $0x90000046  }
0xb4: {  	s29 =	simm.s32 $0x9;
	_ =	strace $0x80000048  }
0xb5: {  	_ =	swait.ge [sflag:s29], $0x1  }
0xb6: {  	[sflag:s29] =	ssyncadd.s32 $0xFFFFFFFF  }
0xb7: {  	_ =	strace $0x90000048  }
0xb8: {  	_ =	sfence  }
0xb9: {  	s30 =	sld [smem:$0x0];
	_ =	sdelay $0x2  }
0xba: {  	s31 =	sshll.u32 s1, $0xD;
	s1 =	sshrl.u32 s1, $0x2  }
0xbb: {  	s3 =	sand.u32 $0x4000, s31;
	s1 =	sadd.s32 s1, s30  }
0xbc: {  	s0 =	sor.u32 s3, s0;
	s1 =	sshll.u32 s1, $0x11  }
0xbd: {  	s0 =	sor.u32 s1, s0  }
0xbe: {  	s0 =	sadd.s32 $0x8F2B, s0  }
0xbf: {  	[sflag:s0] =	ssyncadd.remote.s32 $0x1  }
0xc0: {  	_ =	sfence.sel $0xFFFF  }
0xc1: {  	[dreg:$0x0] =	wrdreg $0xFFFFFFFF;
	(pc) =	sbr.abs _section_cstart, $3  }
0xc2: {  	[dreg:$0x1] =	wrdreg $0xFFFFFFFF  }
0xc3: {  	_ =	task.clear_ibuf [dreg:s8], $0x2FFFF;
	_ =	strace $0x9FFFFFFF  }
0xc4: {  	(tm) =	ssettm $0x7FFFFFFF  }
0xc5: {  	_ =	shalt  }
tec
execute0_lowered:
.L_overlay_start_1:
0x0: {  	(tag) =	ssettag $0x1  }
0x1: {  	s1 =	rddreg [dreg:$0x0]  }
0x2: {  	s3 =	rddreg [dreg:$0x1];
	s2 =	srdreg.scid  }
0x3: {  	s0 =	stileid.u32;
	s6 =	rddreg [dreg:$0x2];
	s11 =	simm.s32 $0x1  }
0x4: {  	s12 =	simm.s32 $0xC380;
	s13 =	simm.s32 $0x80;
	s14 =	simm.s32 $0x400  }
0x5: {  	s15 =	simm.s32 $0x0;
	s5 =	sand.u32 $0x1, s2;
	s4 =	sshll.u32 s0, $0x1  }
0x6: {  	s2 =	rddreg [dreg:$0x3];
	s8 =	sshrl.u32 s0, $0x2;
	s7 =	sor.u32 s5, s4  }
0x7: {  	s4 =	simm.s32 $0x0;
	s8 =	smul.u32 $0x61C00, s8;
	s9 =	sshll.u32 s7, $0x7  }
0x8: {  	s31 =	ssub.s32 $0x2, s5;
	s5 =	sadd.s32 $0xC00, s6;
	s9 =	sand.u32 $0x380, s9  }
0x9: {  	[smem:$0x7FF] =	sst s4;
	s10 =	sshrl.u32 s31, $0x1;
	s8 =	sor.u32 s8, s9  }
0xa: {  	_ =	strace $0x80000047;
	s9 =	ssub.s32 s31, s10;
	s8 =	sshrl.u32 s8, $0x3  }
0xb: {  	v0 =	vimm.f32 $0.0e+00;
	s10 =	simm.s32 $0x18700;
	s9 =	smax.u32 s9, $0x1;
	s8 =	sadd.s32 s8, s6  }
0xc: {  	vm0 =	vmxor vm0, vm0;
	vm1 =	vmmov $0x1;
	vm2 =	vcmask $0x3F3C;
	s6 =	smul.u32 $0xC350, s7;
	s7 =	sadd.s32 $0x31A00, s8;
	s8 =	sadd.s32 $0x62800, s8  }
.LBB2_1:
0xd: {  	s16 =	simm.s32 $0x0;
	s17 =	simm.s32 $0x200  }
.LBB2_2:
0xe: {  	p0 =	sne.s32 s17, $0x30C00;
	[tilespmem:s16+$0xC3F0] =	vst v0  }
0xf: {  	[tilespmem:s16+$0x0] =	vst v0  }
0x10: {  	[tilespmem:s16+$0xC380] =	vst v0  }
0x11: {  	[tilespmem:s16+$0x10] =	vst v0  }
0x12: {  	[tilespmem:s16+$0xC390] =	vst v0  }
0x13: {  	[tilespmem:s16+$0x20] =	vst v0  }
0x14: {  	[tilespmem:s16+$0xC3A0] =	vst v0  }
0x15: {  	[tilespmem:s16+$0x30] =	vst v0  }
0x16: {  	[tilespmem:s16+$0xC3B0] =	vst v0  }
0x17: {  	[tilespmem:s16+$0x40] =	vst v0  }
0x18: {  	[tilespmem:s16+$0xC3C0] =	vst v0  }
.Ltmp0:
0x19: {  	[tilespmem:s16+$0x50] =	vst v0;
	(pc) =	sbr.rel @p0 .LBB2_2-.Ltmp0, $4  }
0x1a: {  	[tilespmem:s16+$0xC3D0] =	vst v0  }
0x1b: {  	[tilespmem:s16+$0x60] =	vst v0  }
0x1c: {  	[tilespmem:s16+$0xC3E0] =	vst v0  }
0x1d: {  	[tilespmem:s16+$0x70] =	vst v0;
	s16 =	sshra.s32 s17, $0x2;
	s17 =	sadd.s32 $0x200, s17  }
0x1e: {  	[tilespmem:s16+$0xC3F0] =	vst v0  }
0x1f: {  	[tilespmem:s16+$0x0] =	vst v0  }
0x20: {  	[tilespmem:s16+$0xC380] =	vst v0  }
0x21: {  	[tilespmem:s16+$0x10] =	vst v0  }
0x22: {  	[tilespmem:s16+$0xC390] =	vst v0  }
0x23: {  	[tilespmem:s16+$0x20] =	vst v0  }
0x24: {  	[tilespmem:s16+$0xC3A0] =	vst v0  }
0x25: {  	[tilespmem:s16+$0x30] =	vst v0  }
0x26: {  	[tilespmem:s16+$0xC3B0] =	vst v0  }
0x27: {  	[tilespmem:s16+$0x40] =	vst v0  }
0x28: {  	[tilespmem:s16+$0xC3C0] =	vst v0  }
0x29: {  	[tilespmem:s16+$0x50] =	vst v0  }
0x2a: {  	[tilespmem:s16+$0xC3D0] =	vst v0  }
0x2b: {  	[tilespmem:s16+$0x60] =	vst v0  }
0x2c: {  	[tilespmem:s16+$0xC3E0] =	vst v0  }
0x2d: {  	[tilespmem:s16+$0x70] =	vst v0;
	s16 =	simm.s32 $0x0;
	s18 =	simm.f32 $0.0e+00;
	s17 =	simm.s32 $0x0  }
.LBB2_4:
0x2e: {  	s19 =	smul.u32 $0x7D0, s17;
	_ =	sdelay $0x1  }
0x2f: {  	s19 =	sadd.s32 s6, s19  }
0x30: {  	s19 =	sshrl.u32 s19, $0x3  }
0x31: {  	s20 =	sadd.s32 s5, s19  }
0x32: {  	[tilespmem:s10], [sflag:$0x1] =	stream.linear.gather [hbm4b:s20+s16], $0x7E0, $0x38;
	[tilespmem:$0x19F00] =	vst v63  }
0x33: {  	_ =	swait.ge [sflag:s11], $0x7E0  }
0x34: {  	[sflag:s11] =	ssyncset.done $0x0  }
0x35: {  	s21 =	simm.s32 $0x18F00;
	s28 =	sadd.s32 s1, s19;
	[sflag:s11] =	ssyncadd.s32 $0xFFFFF820  }
0x36: {  	[tilespmem:s21], [sflag:$0x1] =	stream.linear.gather [hbm4b:s28+s16], $0x7D0, $0x38;
	[tilespmem:$0x19F00] =	vst v63  }
0x37: {  	_ =	swait.ge [sflag:s11], $0x7D0  }
0x38: {  	[sflag:s11] =	ssyncset.done $0x0  }
0x39: {  	s29 =	sadd.s32 s3, s19;
	s19 =	simm.s32 $0x19700;
	[sflag:s11] =	ssyncadd.s32 $0xFFFFF830  }
0x3a: {  	[tilespmem:s19], [sflag:$0x1] =	stream.linear.gather [hbm4b:s29+s16], $0x7D0, $0x38;
	[tilespmem:$0x19F00] =	vst v63  }
0x3b: {  	_ =	swait.ge [sflag:s11], $0x7D0  }
0x3c: {  	[sflag:s11] =	ssyncset.done $0x0  }
0x3d: {  	[sflag:s11] =	ssyncadd.s32 $0xFFFFF830  }
0x3e: {  	v1 =	vld [tilespmem:s21+$0x0];
	_ =	sdelay $0x4  }
0x3f: {  	v1 =	vmul.f32 $1.442695020e+00, v1;
	_ =	sdelay $0x1  }
0x40: {  	(erf) = vpow2.f32 v1;
	_ =	sdelay $0x8  }
0x41: {  	v1 =	vpop (erf)  }
0x42: {  	s30 =	simm.s32 $0x18709;
	(xrf2) =	vadd.scan.msk.f32 $0xffff, v1  }
0x43: {  	v2 =	vld [tilespmem:s30+$0xFFFFFFFF]  }
0x44: {  	v3 =	vld [tilespmem:s30+$0x0]  }
0x45: {  	p0 =	seq.s32 s17, $0x18;
	p1 =	por $0x0, $0x0;
	v4 =	vld [tilespmem:s30+$0xFFFFFFFE]  }
0x46: {  	p1 =	por !p0, !p1  }
0x47: {  	s31 =	sor.u32 s17, s16;
	vm3 =	vmmov vm0;
	p1 =	por !p1, !p1  }
0x48: {  	vm4 =	vmmov vm0;
	vm3 =	vmneg @p1 vm3;
	p1 =	seq.s32 s31, $0x0  }
0x49: {  	vm3 =	vmand vm3, vm2;
	vm4 =	vmneg @p1 vm4;
	vm5 =	vne.s32 v2, v3  }
0x4a: {  	vm4 =	vmand vm4, vm1;
	vm15 =	vne.s32 v2, v4;
	vm3 =	vmor vm3, vm5  }
0x4b: {  	vm4 =	vmor vm4, vm15  }
0x4c: {  	v3, _, _ =	vpop (xrf2)  }
0x4d: {  	v63 =	vld [tilespmem:s19+$0x0];
	v5 =	vadd.f32 s18, v3;
	(v2sf) =	vpush v3, $0xF;
	_ =	sdelay $0x1  }
0x4e: {  	v1 =	vsub.f32 v1, v5  }
0x4f: {  	[tilespmem:v2+s4+$0x0] =	vst.idx.add.f32.msk vm3, v5  }
0x50: {  	[tilespmem:v2+s4+$0x0] =	vst.idx.add.f32.msk vm4, v1  }
0x51: {  	s22 =	simm.s32 $0x18F10;
	[tilespmem:v2+s12+$0x0] =	vst.idx.add.f32.msk vm15, v63  }
0x52: {  	s23 =	simm.s32 $0x2;
	s20 =	simm.s32 $0x1;
	s21 =	simm.s32 $0x18719;
	v1 =	vld [tilespmem:s22+$0x0]  }
.LBB2_5:
0x53: {  	p1 =	sne.s32 s23, $0x7C;
	v2 =	vld [tilespmem:s21+$0xFFFFFFFF]  }
0x54: {  	v3 =	vld [tilespmem:s21+$0xFFFFFFFE]  }
0x55: {  	s19 =	sadd.s32 $0x10, s19;
	v4 =	vld [tilespmem:s21+$0x0]  }
0x56: {  	v5 =	vld [tilespmem:s19+$0x0]  }
0x57: {  	v1 =	vmul.f32 $1.442695020e+00, v1;
	_ =	sdelay $0x1  }
0x58: {  	(erf) = vpow2.f32 v1;
	_ =	sdelay $0x1  }
0x59: {  	s24 =	spop (v2sf)  }
0x5a: {  	s18 =	sadd.f32 s24, s18;
	_ =	sdelay $0x5  }
0x5b: {  	v1 =	vpop (erf)  }
0x5c: {  	(xrf2) =	vadd.scan.msk.f32 $0xffff, v1;
	_ =	sdelay $0x1  }
0x5d: {  	p2 =	seq.s32 s20, $0x7C  }
0x5e: {  	p2 =	por !p0, !p2  }
0x5f: {  	vm3 =	vmmov vm0;
	p2 =	por !p2, !p2  }
0x60: {  	vm3 =	vmneg @p2 vm3;
	s24 =	sor.u32 s17, s20;
	s20 =	smov.u32 s23  }
0x61: {  	vm5 =	vmmov vm0;
	vm3 =	vmand vm3, vm2;
	vm4 =	vne.s32 v2, v4;
	p2 =	seq.s32 s24, $0x0  }
0x62: {  	vm3 =	vmor vm3, vm4;
	vm5 =	vmneg @p2 vm5  }
0x63: {  	vm4 =	vne.s32 v2, v3;
	vm5 =	vmand vm5, vm1  }
0x64: {  	vm5 =	vmor vm5, vm4  }
0x65: {  	v3, _, _ =	vpop (xrf2)  }
0x66: {  	v4 =	vadd.f32 s18, v3;
	(v2sf) =	vpush v3, $0xF;
	_ =	sdelay $0x1  }
.Ltmp1:
0x67: {  	[tilespmem:v2+s4+$0x0] =	vst.idx.add.f32.msk vm3, v4;
	v1 =	vsub.f32 v1, v4;
	(pc) =	sbr.rel @p1 .LBB2_5-.Ltmp1, $4  }
0x68: {  	_ = 	snop  }
0x69: {  	[tilespmem:v2+s4+$0x0] =	vst.idx.add.f32.msk vm5, v1  }
0x6a: {  	s22 =	sadd.s32 $0x10, s22;
	[tilespmem:v2+s12+$0x0] =	vst.idx.add.f32.msk vm4, v5  }
0x6b: {  	s21 =	sadd.s32 $0x10, s21;
	s23 =	sadd.s32 $0x1, s23;
	v1 =	vld [tilespmem:s22+$0x0]  }
0x6c: {  	_ =	sdelay $0x3  }
0x6d: {  	v1 =	vmul.f32 $1.442695020e+00, v1;
	_ =	sdelay $0x1  }
0x6e: {  	(erf) = vpow2.f32 v1;
	_ =	sdelay $0x8  }
0x6f: {  	v1 =	vpop (erf)  }
0x70: {  	(xrf2) =	vadd.scan.msk.f32 $0xffff, v1;
	_ =	sdelay $0x9  }
0x71: {  	v2, _, _ =	vpop (xrf2)  }
0x72: {  	(v2sf) =	vpush v2, $0xF  }
0x73: {  	v3 =	vld [tilespmem:s21+$0xFFFFFFFF]  }
0x74: {  	v4 =	vld [tilespmem:s21+$0x0]  }
0x75: {  	v5 =	vld [tilespmem:s21+$0xFFFFFFFE];
	p1 =	seq.s32 s20, $0x7C  }
0x76: {  	p0 =	por !p0, !p1  }
0x77: {  	s29 =	sor.u32 s17, s20;
	vm3 =	vmmov vm0;
	p0 =	por !p0, !p0  }
0x78: {  	vm4 =	vmmov vm0;
	vm3 =	vmneg @p0 vm3;
	p0 =	seq.s32 s29, $0x0  }
0x79: {  	vm3 =	vmand vm3, vm2;
	vm4 =	vmneg @p0 vm4;
	vm5 =	vne.s32 v3, v4  }
0x7a: {  	vm15 =	vne.s32 v3, v5;
	vm4 =	vmand vm4, vm1;
	vm3 =	vmor vm3, vm5;
	s30 =	spop (v2sf)  }
0x7b: {  	vm4 =	vmor vm4, vm15;
	s18 =	sadd.f32 s30, s18  }
0x7c: {  	s19 =	sadd.s32 $0x10, s19;
	s17 =	sadd.s32 $0x1, s17  }
0x7d: {  	v63 =	vld [tilespmem:s19+$0x0];
	p0 =	sne.s32 s17, $0x19;
	v2 =	vadd.f32 s18, v2  }
.Ltmp2:
0x7e: {  	_ = 	snop;
	(pc) =	sbr.rel @p0 .LBB2_4-.Ltmp2, $4  }
0x7f: {  	v1 =	vsub.f32 v1, v2  }
0x80: {  	[tilespmem:v3+s4+$0x0] =	vst.idx.add.f32.msk vm3, v2  }
0x81: {  	[tilespmem:v3+s4+$0x0] =	vst.idx.add.f32.msk vm4, v1;
	s31 =	spop (v2sf)  }
0x82: {  	[tilespmem:v3+s12+$0x0] =	vst.idx.add.f32.msk vm15, v63;
	s18 =	sadd.f32 s31, s18  }
0x83: {  	[hbm4b:s7+s13] =	stream.strided.scatter [tilespmem:s4], [sflag:$0x1], $0xC380, s14, s13, $0x38;
	[tilespmem:$0x19F00] =	vst v63  }
0x84: {  	s15 =	sadd.s32 $0x1, s15;
	_ =	swait.ge [sflag:s11], $0xC380  }
0x85: {  	p0 =	sne.s32 s15, s9;
	[sflag:s11] =	ssyncset.done $0x0  }
.Ltmp3:
0x86: {  	[sflag:s11] =	ssyncadd.s32 $0xFFFF3C80;
	(pc) =	sbr.rel @p0 .LBB2_1-.Ltmp3, $4  }
0x87: {  	[hbm4b:s8+s13] =	stream.strided.scatter [tilespmem:s12], [sflag:$0x1], $0xC380, s14, s13, $0x38;
	[tilespmem:$0x19F00] =	vst v63  }
0x88: {  	_ =	swait.ge [sflag:s11], $0xC380  }
0x89: {  	[sflag:s11] =	ssyncset.done $0x0  }
0x8a: {  	[sflag:s11] =	ssyncadd.s32 $0xFFFF3C80  }
0x8b: {  	_ =	sfence.sel $0x180000  }
0x8c: {  	[bflag:$0x0] =	sbarrier.arrive $0xFFFF  }
0x8d: {  	p0 =	sne.s32 s0, $0x0;
	_ =	strace $0x90000047  }
0x8e: {  	s0 =	sadd.s32 @!p0 $0x100000, s2;
	[bflag:$0x2] =	sbarrier.arrive $0xFFFF  }
0x8f: {  	[sflag:s0] =	ssyncadd.tile.s32 @!p0 $0x1;
	_ =	shalt  }
.Lfunc_end2:
_tile_overlayer_lowered:
.L_overlay_start_2:
0x90: {  	(tag) =	ssettag $0x2  }
0x91: {  	s0 =	rddreg [dreg:$0x0];
	s2 =	stileid.u32  }
0x92: {  	s1 =	rddreg [dreg:$0x1];
	p0 =	sne.s32 s2, $0x0  }
0x93: {  	s3 =	rddreg [dreg:$0x2];
	[bflag:$0x3] =	sbarrier.arrive $0xFFFF;
	s2 =	simm.s32 @!p0 $0x1C01  }
0x94: {  	[timem:s3], [sflag:s2] =	dma.local @!p0 [hbm:s0], s1  }
0x95: {  	s0 =	simm.s32 @!p0 $0x1  }
0x96: {  	_ =	swait.ge @!p0 [sflag:s0], s1  }
0x97: {  	s1 =	ssub.s32 @!p0 $0x0, s1;
	[sflag:s0] =	ssyncset.done @!p0 $0x0  }
0x98: {  	[sflag:s0] =	ssyncadd.s32 @!p0 s1  }
0x99: {  	[bflag:$0x3] =	sbarrier.arrive $0xFFFF  }
0x9a: {  	_ =	shalt  }

</sc_bundles>
